<compile_context>
chip_gen: v7x
topology: tpu7x:2x2x1
jax: 0.10.2.dev20260603
libtpu: 0.0.44.dev20260713+nightly
codegen_flags: <defaults>
</compile_context>

<pallas_src>
import jax
import jax.numpy as jnp
from jax import lax
from jax.experimental import pallas as pl
from jax.experimental.pallas import tpu as pltpu
from jax.experimental.pallas import tpu_sc as plsc

T_TEXT = 200
EMBED_DIM = 1024
ROWS_MAIN = 16
NUM_MAIN = 12
ROWS_TAIL = 8


def _gather_body(idx_hbm, table_hbm, out_hbm, idx_v, rows_v, sem):
    wid = lax.axis_index("s")

    @pl.when(wid < NUM_MAIN)
    def _():
        base = wid * ROWS_MAIN
        pltpu.sync_copy(idx_hbm.at[pl.ds(base, ROWS_MAIN)], idx_v)
        pltpu.async_copy(table_hbm.at[idx_v], rows_v, sem).wait()
        pltpu.sync_copy(rows_v, out_hbm.at[pl.ds(base, ROWS_MAIN)])

    @pl.when(wid == NUM_MAIN)
    def _():
        base = NUM_MAIN * ROWS_MAIN
        pltpu.sync_copy(
            idx_hbm.at[pl.ds(base, ROWS_TAIL)], idx_v.at[pl.ds(0, ROWS_TAIL)]
        )
        pltpu.async_copy(
            table_hbm.at[idx_v.at[pl.ds(0, ROWS_TAIL)]],
            rows_v.at[pl.ds(0, ROWS_TAIL)],
            sem,
        ).wait()
        pltpu.sync_copy(
            rows_v.at[pl.ds(0, ROWS_TAIL)], out_hbm.at[pl.ds(base, ROWS_TAIL)]
        )


def kernel(token_ids, embed_table):
    idx = token_ids.reshape(T_TEXT).astype(jnp.int32)
    mesh = plsc.VectorSubcoreMesh(
        core_axis_name="c", subcore_axis_name="s", num_cores=1
    )
    out = pl.kernel(
        _gather_body,
        mesh=mesh,
        out_type=jax.ShapeDtypeStruct((T_TEXT, EMBED_DIM), jnp.float32),
        scratch_types=[
            pltpu.VMEM((ROWS_MAIN,), jnp.int32),
            pltpu.VMEM((ROWS_MAIN, EMBED_DIM), jnp.float32),
            pltpu.SemaphoreType.DMA,
        ],
    )(idx, embed_table)
    return out.reshape(1, T_TEXT, EMBED_DIM)

# --- scband reference (transcript-rebuilt; emitter-appended) ---
"""Pipeline reference for scband-text-conditioner-wrapper-24902220382264 (READ-ONLY COPY).

The authoritative reference and input builder live on the scoring server;
editing this copy changes nothing except your own understanding.
"""

import jax, jax.numpy as jnp
import numpy as np

VOCAB = 100000
EMBED_DIM = 1024
T_TEXT = 200


def setup_inputs(seed: int = 0) -> dict:
    key = jax.random.key(seed)
    k_idx, k_tab = jax.random.split(key)
    token_ids = jax.random.randint(k_idx, (1, T_TEXT), 0, VOCAB, dtype=jnp.int64 if jax.config.jax_enable_x64 else jnp.int32)
    embed_table = jax.random.normal(k_tab, (VOCAB, EMBED_DIM), dtype=jnp.float32)
    return {"token_ids": token_ids, "embed_table": embed_table}


def reference(token_ids, embed_table):
    # TextConditionerWrapper.forward: self.embed(token_ids) -> nn.Embedding lookup
    return jnp.take(embed_table, token_ids, axis=0)

if __name__ == "__main__":
    import jax
    _d = setup_inputs()
    print(jax.jit(kernel)(*tuple(_d.values())))

</pallas_src>

<mosaic_0001>
#map = affine_map<(d0, d1) -> (0)>
#map1 = affine_map<(d0, d1) -> (0, 0)>
module attributes {stable_mosaic.version = 14 : i64} {
  func.func @_gather_body(%arg0: i32, %arg1: i32, %arg2: memref<200xi32, #tpu.memory_space<hbm>>, %arg3: memref<100000x1024xf32, #tpu.memory_space<hbm>>, %arg4: memref<200x1024xf32, #tpu.memory_space<hbm>>, %arg5: memref<16xi32, #tpu.memory_space<vmem>>, %arg6: memref<16x1024xf32, #tpu.memory_space<vmem>>, %arg7: memref<!tpu.dma_semaphore, #tpu.memory_space<semaphore_mem>>) attributes {dimension_semantics = [#tpu.dimension_semantics<core_parallel>, #tpu.dimension_semantics<subcore_parallel>], iteration_bounds = array<i64: 1, 16>, scalar_prefetch = 0 : i64, scratch_operands = 3 : i64, tpu.core_type = #tpu.core_type<sc_vector_subcore>, window_params = [{transform_indices = #map}, {transform_indices = #map1}, {transform_indices = #map1}]} {
    %lt3A = arith.constant 12 : i32
    %lt3A_0 = arith.cmpi slt, %arg1, %lt3A : i32
    %convert_element_type3A = arith.extui %lt3A_0 : i1 to i32
    %cond3A = arith.constant 0 : i32
    %cond3A_1 = arith.cmpi ne, %convert_element_type3A, %cond3A : i32
    scf.if %cond3A_1 {
      %mul3A = arith.constant 16 : i32
      %mul3A_6 = arith.muli %arg1, %mul3A : i32
      "tpu.region"() ({
        %run_scoped3A = tpu.sem_alloc : memref<!tpu.dma_semaphore, #tpu.memory_space<semaphore_mem>>
        %dma_start3A_11 = tpu.memref_slice %arg2[%mul3A_6] : memref<200xi32, #tpu.memory_space<hbm>> -> memref<16xi32, #tpu.memory_space<hbm>>
        %dma_start3A_12 = tpu.memref_slice %arg2[%mul3A_6] : memref<200xi32, #tpu.memory_space<hbm>> -> memref<16xi32, #tpu.memory_space<hbm>>
        tpu.enqueue_dma source(%dma_start3A_12 : memref<16xi32, #tpu.memory_space<hbm>>) target(%arg5 : memref<16xi32, #tpu.memory_space<vmem>>) target_semaphore(%run_scoped3A : memref<!tpu.dma_semaphore, #tpu.memory_space<semaphore_mem>>)
        %dma_wait3A_13 = tpu.memref_slice %arg2[%mul3A_6] : memref<200xi32, #tpu.memory_space<hbm>> -> memref<16xi32, #tpu.memory_space<hbm>>
        %dma_wait3A_14 = tpu.memref_slice %arg2[%mul3A_6] : memref<200xi32, #tpu.memory_space<hbm>> -> memref<16xi32, #tpu.memory_space<hbm>>
        tpu.wait_dma2 semaphore(%run_scoped3A : memref<!tpu.dma_semaphore, #tpu.memory_space<semaphore_mem>>) src(%dma_wait3A_14 : memref<16xi32, #tpu.memory_space<hbm>>) dst(%arg5 : memref<16xi32, #tpu.memory_space<vmem>>)
        tpu.yield
      }) : () -> ()
      %dma_start3A = arith.constant 0 : i32
      %dma_start3A_7 = arith.constant 0 : i32
      %dma_start3A_8 = tpu.memref_slice %arg3[%dma_start3A, %dma_start3A_7] : memref<100000x1024xf32, #tpu.memory_space<hbm>> -> memref<100000x1024xf32, #tpu.memory_space<hbm>>
      tpu.enqueue_indirect_dma source(%dma_start3A_8 : memref<100000x1024xf32, #tpu.memory_space<hbm>>) target(%arg6 : memref<16x1024xf32, #tpu.memory_space<vmem>>) offsets(%arg5 : memref<16xi32, #tpu.memory_space<vmem>>) semaphore(%arg7 : memref<!tpu.dma_semaphore, #tpu.memory_space<semaphore_mem>>)
      %dma_wait3A = arith.constant 0 : i32
      %dma_wait3A_9 = arith.constant 0 : i32
      %dma_wait3A_10 = tpu.memref_slice %arg3[%dma_wait3A, %dma_wait3A_9] : memref<100000x1024xf32, #tpu.memory_space<hbm>> -> memref<100000x1024xf32, #tpu.memory_space<hbm>>
      tpu.wait_indirect_dma semaphore(%arg7 : memref<!tpu.dma_semaphore, #tpu.memory_space<semaphore_mem>>) src(%dma_wait3A_10 : memref<100000x1024xf32, #tpu.memory_space<hbm>>) dst(%arg6 : memref<16x1024xf32, #tpu.memory_space<vmem>>)
      "tpu.region"() ({
        %run_scoped3A = tpu.sem_alloc : memref<!tpu.dma_semaphore, #tpu.memory_space<semaphore_mem>>
        %dma_start3A_11 = arith.constant 0 : i32
        %dma_start3A_12 = tpu.memref_slice %arg4[%mul3A_6, %dma_start3A_11] : memref<200x1024xf32, #tpu.memory_space<hbm>> -> memref<16x1024xf32, #tpu.memory_space<hbm>>
        %dma_start3A_13 = arith.constant 0 : i32
        %dma_start3A_14 = tpu.memref_slice %arg4[%mul3A_6, %dma_start3A_13] : memref<200x1024xf32, #tpu.memory_space<hbm>> -> memref<16x1024xf32, #tpu.memory_space<hbm>>
        tpu.enqueue_dma source(%arg6 : memref<16x1024xf32, #tpu.memory_space<vmem>>) target(%dma_start3A_14 : memref<16x1024xf32, #tpu.memory_space<hbm>>) target_semaphore(%run_scoped3A : memref<!tpu.dma_semaphore, #tpu.memory_space<semaphore_mem>>)
        %dma_wait3A_15 = arith.constant 0 : i32
        %dma_wait3A_16 = tpu.memref_slice %arg4[%mul3A_6, %dma_wait3A_15] : memref<200x1024xf32, #tpu.memory_space<hbm>> -> memref<16x1024xf32, #tpu.memory_space<hbm>>
        %dma_wait3A_17 = arith.constant 0 : i32
        %dma_wait3A_18 = tpu.memref_slice %arg4[%mul3A_6, %dma_wait3A_17] : memref<200x1024xf32, #tpu.memory_space<hbm>> -> memref<16x1024xf32, #tpu.memory_space<hbm>>
        tpu.wait_dma2 semaphore(%run_scoped3A : memref<!tpu.dma_semaphore, #tpu.memory_space<semaphore_mem>>) src(%arg6 : memref<16x1024xf32, #tpu.memory_space<vmem>>) dst(%dma_wait3A_18 : memref<16x1024xf32, #tpu.memory_space<hbm>>)
        tpu.yield
      }) : () -> ()
    } else {
    }
    %eq3A = arith.constant 12 : i32
    %eq3A_2 = arith.cmpi eq, %arg1, %eq3A : i32
    %convert_element_type3A_3 = arith.extui %eq3A_2 : i1 to i32
    %cond3A_4 = arith.constant 0 : i32
    %cond3A_5 = arith.cmpi ne, %convert_element_type3A_3, %cond3A_4 : i32
    scf.if %cond3A_5 {
      "tpu.region"() ({
        %run_scoped3A = tpu.sem_alloc : memref<!tpu.dma_semaphore, #tpu.memory_space<semaphore_mem>>
        %dma_start3A_20 = arith.constant 0 : i32
        %dma_start3A_21 = tpu.memref_slice %arg5[%dma_start3A_20] : memref<16xi32, #tpu.memory_space<vmem>> -> memref<8xi32, #tpu.memory_space<vmem>>
        %dma_start3A_22 = arith.constant 192 : i32
        %dma_start3A_23 = tpu.memref_slice %arg2[%dma_start3A_22] : memref<200xi32, #tpu.memory_space<hbm>> -> memref<8xi32, #tpu.memory_space<hbm>>
        %dma_start3A_24 = arith.constant 0 : i32
        %dma_start3A_25 = tpu.memref_slice %arg5[%dma_start3A_24] : memref<16xi32, #tpu.memory_space<vmem>> -> memref<8xi32, #tpu.memory_space<vmem>>
        %dma_start3A_26 = arith.constant 192 : i32
        %dma_start3A_27 = tpu.memref_slice %arg2[%dma_start3A_26] : memref<200xi32, #tpu.memory_space<hbm>> -> memref<8xi32, #tpu.memory_space<hbm>>
        tpu.enqueue_dma source(%dma_start3A_27 : memref<8xi32, #tpu.memory_space<hbm>>) target(%dma_start3A_25 : memref<8xi32, #tpu.memory_space<vmem>>) target_semaphore(%run_scoped3A : memref<!tpu.dma_semaphore, #tpu.memory_space<semaphore_mem>>)
        %dma_wait3A_28 = arith.constant 0 : i32
        %dma_wait3A_29 = tpu.memref_slice %arg5[%dma_wait3A_28] : memref<16xi32, #tpu.memory_space<vmem>> -> memref<8xi32, #tpu.memory_space<vmem>>
        %dma_wait3A_30 = arith.constant 192 : i32
        %dma_wait3A_31 = tpu.memref_slice %arg2[%dma_wait3A_30] : memref<200xi32, #tpu.memory_space<hbm>> -> memref<8xi32, #tpu.memory_space<hbm>>
        %dma_wait3A_32 = arith.constant 0 : i32
        %dma_wait3A_33 = tpu.memref_slice %arg5[%dma_wait3A_32] : memref<16xi32, #tpu.memory_space<vmem>> -> memref<8xi32, #tpu.memory_space<vmem>>
        %dma_wait3A_34 = arith.constant 192 : i32
        %dma_wait3A_35 = tpu.memref_slice %arg2[%dma_wait3A_34] : memref<200xi32, #tpu.memory_space<hbm>> -> memref<8xi32, #tpu.memory_space<hbm>>
        tpu.wait_dma2 semaphore(%run_scoped3A : memref<!tpu.dma_semaphore, #tpu.memory_space<semaphore_mem>>) src(%dma_wait3A_35 : memref<8xi32, #tpu.memory_space<hbm>>) dst(%dma_wait3A_33 : memref<8xi32, #tpu.memory_space<vmem>>)
        tpu.yield
      }) : () -> ()
      %dma_start3A = arith.constant 0 : i32
      %dma_start3A_6 = arith.constant 0 : i32
      %dma_start3A_7 = tpu.memref_slice %arg6[%dma_start3A, %dma_start3A_6] : memref<16x1024xf32, #tpu.memory_space<vmem>> -> memref<8x1024xf32, #tpu.memory_space<vmem>>
      %dma_start3A_8 = arith.constant 0 : i32
      %dma_start3A_9 = tpu.memref_slice %arg5[%dma_start3A_8] : memref<16xi32, #tpu.memory_space<vmem>> -> memref<8xi32, #tpu.memory_space<vmem>>
      %dma_start3A_10 = arith.constant 0 : i32
      %dma_start3A_11 = arith.constant 0 : i32
      %dma_start3A_12 = tpu.memref_slice %arg3[%dma_start3A_10, %dma_start3A_11] : memref<100000x1024xf32, #tpu.memory_space<hbm>> -> memref<100000x1024xf32, #tpu.memory_space<hbm>>
      tpu.enqueue_indirect_dma source(%dma_start3A_12 : memref<100000x1024xf32, #tpu.memory_space<hbm>>) target(%dma_start3A_7 : memref<8x1024xf32, #tpu.memory_space<vmem>>) offsets(%dma_start3A_9 : memref<8xi32, #tpu.memory_space<vmem>>) semaphore(%arg7 : memref<!tpu.dma_semaphore, #tpu.memory_space<semaphore_mem>>)
      %dma_wait3A = arith.constant 0 : i32
      %dma_wait3A_13 = arith.constant 0 : i32
      %dma_wait3A_14 = tpu.memref_slice %arg6[%dma_wait3A, %dma_wait3A_13] : memref<16x1024xf32, #tpu.memory_space<vmem>> -> memref<8x1024xf32, #tpu.memory_space<vmem>>
      %dma_wait3A_15 = arith.constant 0 : i32
      %dma_wait3A_16 = tpu.memref_slice %arg5[%dma_wait3A_15] : memref<16xi32, #tpu.memory_space<vmem>> -> memref<8xi32, #tpu.memory_space<vmem>>
      %dma_wait3A_17 = arith.constant 0 : i32
      %dma_wait3A_18 = arith.constant 0 : i32
      %dma_wait3A_19 = tpu.memref_slice %arg3[%dma_wait3A_17, %dma_wait3A_18] : memref<100000x1024xf32, #tpu.memory_space<hbm>> -> memref<100000x1024xf32, #tpu.memory_space<hbm>>
      tpu.wait_indirect_dma semaphore(%arg7 : memref<!tpu.dma_semaphore, #tpu.memory_space<semaphore_mem>>) src(%dma_wait3A_19 : memref<100000x1024xf32, #tpu.memory_space<hbm>>) dst(%dma_wait3A_14 : memref<8x1024xf32, #tpu.memory_space<vmem>>)
      "tpu.region"() ({
        %run_scoped3A = tpu.sem_alloc : memref<!tpu.dma_semaphore, #tpu.memory_space<semaphore_mem>>
        %dma_start3A_20 = arith.constant 0 : i32
        %dma_start3A_21 = arith.constant 0 : i32
        %dma_start3A_22 = tpu.memref_slice %arg6[%dma_start3A_20, %dma_start3A_21] : memref<16x1024xf32, #tpu.memory_space<vmem>> -> memref<8x1024xf32, #tpu.memory_space<vmem>>
        %dma_start3A_23 = arith.constant 192 : i32
        %dma_start3A_24 = arith.constant 0 : i32
        %dma_start3A_25 = tpu.memref_slice %arg4[%dma_start3A_23, %dma_start3A_24] : memref<200x1024xf32, #tpu.memory_space<hbm>> -> memref<8x1024xf32, #tpu.memory_space<hbm>>
        %dma_start3A_26 = arith.constant 192 : i32
        %dma_start3A_27 = arith.constant 0 : i32
        %dma_start3A_28 = tpu.memref_slice %arg4[%dma_start3A_26, %dma_start3A_27] : memref<200x1024xf32, #tpu.memory_space<hbm>> -> memref<8x1024xf32, #tpu.memory_space<hbm>>
        %dma_start3A_29 = arith.constant 0 : i32
        %dma_start3A_30 = arith.constant 0 : i32
        %dma_start3A_31 = tpu.memref_slice %arg6[%dma_start3A_29, %dma_start3A_30] : memref<16x1024xf32, #tpu.memory_space<vmem>> -> memref<8x1024xf32, #tpu.memory_space<vmem>>
        tpu.enqueue_dma source(%dma_start3A_31 : memref<8x1024xf32, #tpu.memory_space<vmem>>) target(%dma_start3A_28 : memref<8x1024xf32, #tpu.memory_space<hbm>>) target_semaphore(%run_scoped3A : memref<!tpu.dma_semaphore, #tpu.memory_space<semaphore_mem>>)
        %dma_wait3A_32 = arith.constant 0 : i32
        %dma_wait3A_33 = arith.constant 0 : i32
        %dma_wait3A_34 = tpu.memref_slice %arg6[%dma_wait3A_32, %dma_wait3A_33] : memref<16x1024xf32, #tpu.memory_space<vmem>> -> memref<8x1024xf32, #tpu.memory_space<vmem>>
        %dma_wait3A_35 = arith.constant 192 : i32
        %dma_wait3A_36 = arith.constant 0 : i32
        %dma_wait3A_37 = tpu.memref_slice %arg4[%dma_wait3A_35, %dma_wait3A_36] : memref<200x1024xf32, #tpu.memory_space<hbm>> -> memref<8x1024xf32, #tpu.memory_space<hbm>>
        %dma_wait3A_38 = arith.constant 192 : i32
        %dma_wait3A_39 = arith.constant 0 : i32
        %dma_wait3A_40 = tpu.memref_slice %arg4[%dma_wait3A_38, %dma_wait3A_39] : memref<200x1024xf32, #tpu.memory_space<hbm>> -> memref<8x1024xf32, #tpu.memory_space<hbm>>
        %dma_wait3A_41 = arith.constant 0 : i32
        %dma_wait3A_42 = arith.constant 0 : i32
        %dma_wait3A_43 = tpu.memref_slice %arg6[%dma_wait3A_41, %dma_wait3A_42] : memref<16x1024xf32, #tpu.memory_space<vmem>> -> memref<8x1024xf32, #tpu.memory_space<vmem>>
        tpu.wait_dma2 semaphore(%run_scoped3A : memref<!tpu.dma_semaphore, #tpu.memory_space<semaphore_mem>>) src(%dma_wait3A_43 : memref<8x1024xf32, #tpu.memory_space<vmem>>) dst(%dma_wait3A_40 : memref<8x1024xf32, #tpu.memory_space<hbm>>)
        tpu.yield
      }) : () -> ()
    } else {
    }
    return
  }
}

</mosaic_0001>

<sc_bundles>
// kernel: kernel.3.cloned.1.call-start
scs
__scs_entry_jumppad:
0x0: {  	(pc) =	sbr.rel $0x88, $3  }
0x1: {  	(tag) =	ssettag $0x0;
	lr =	simm.s32 $0x1  }
0x2: {  	[smem:$0x3F9F] =	sst lr;
	_ =	strace $0xD0000000  }
0x3: {  	_ = 	snop  }
0x4: {  	_ = 	snop  }
0x5: {  	_ = 	snop  }
0x6: {  	_ = 	snop  }
0x7: {  	_ = 	snop  }
__scs_overlays_trampoline_lowered:
0x8: {  	[smem:$0x3FAE] =	sst s0  }
0x9: {  	[smem:$0x3FAF] =	sst s1  }
0xa: {  	[smem:$0x3FB0] =	sst s2  }
0xb: {  	[smem:$0x3FB1] =	sst s3  }
0xc: {  	[smem:$0x3FB2] =	sst s4  }
0xd: {  	[smem:$0x3FB3] =	sst s5  }
0xe: {  	[smem:$0x3FB4] =	sst s6  }
0xf: {  	[smem:$0x3FB5] =	sst s7  }
0x10: {  	[smem:$0x3FB6] =	sst s8  }
0x11: {  	[smem:$0x3FB7] =	sst s9;
	s0 =	simm.s32 @!p0 $0x0  }
0x12: {  	s1 =	sld [smem:$0x3F9D];
	s0 =	simm.s32 @p0 $0x1  }
0x13: {  	[smem:$0x3FB8] =	sst s0;
	s0 =	simm.s32 @!p1 $0x0  }
0x14: {  	s2 =	sld [smem:$0x3F9C];
	s0 =	simm.s32 @p1 $0x1  }
0x15: {  	[smem:$0x3FB9] =	sst s0;
	s0 =	simm.s32 @!p2 $0x0  }
0x16: {  	s3 =	sld [smem:$0x3FDB];
	s0 =	simm.s32 @p2 $0x1  }
0x17: {  	s4 =	simm.s32 $0x1BF5;
	[smem:$0x3FBB] =	sst s0  }
0x18: {  	s0 =	sld [smem:$0x3F9E];
	_ =	swait.ge [sflag:s4], $0x0  }
0x19: {  	s7 =	sld [smem:$0x3F9F]  }
0x1a: {  	s8 =	sadd.s32 $0xFFFFE003, lr  }
0x1b: {  	s9 =	sadd.s32 $0xFFFFFEF7, lr;
	s5 =	simm.s32 $0xFFFFFFFF;
	p2 =	slt.u32 s8, $0xFFFFF086  }
0x1c: {  	p1 =	slt.u32 s9, $0xF7A;
	s5 =	simm.s32 @!p2 $0x0  }
0x1d: {  	s5 =	simm.s32 @p1 $0x1;
	p0 =	seq.s32 s7, s2  }
0x1e: {  	s7 =	smul.u32 @!p0 $0xF7A, s2;
	p2 =	seq.s32 @!p0 s5, $0x0  }
0x1f: {  	s9 =	smul.u32 $0xF7A, s1;
	s8 =	simm.s32 @!p0 $0x1BF5;
	p2 =	por !p2, p0  }
0x20: {  	[sflag:s8] =	ssyncset.s32 @!p0 $0xFFFFF086;
	s6 =	sadd.s32 @!p0 s3, s7;
	s7 =	simm.s32 @!p0 $0x108  }
0x21: {  	s3 =	sadd.s32 s3, s9;
	s6 =	sadd.s32 @!p0 $0x88, s6;
	s7 =	simm.s32 @p2 $0x1082  }
0x22: {  	[simem:s7], [sflag:s8] =	dma.local @!p0 [hbm:s6], $0xF7A  }
0x23: {  	s9 =	sor.u32 $0xD0000000, s2;
	s6 =	simm.s32 $0x108;
	_ =	swait.ge @!p0 [sflag:s8], $0x0  }
0x24: {  	s3 =	sadd.s32 $0x88, s3;
	s6 =	simm.s32 @!p1 $0x1082;
	[sflag:s4] =	ssyncset.s32 $0xFFFFF086  }
0x25: {  	[simem:s6], [sflag:s4] =	dma.local [hbm:s3], $0xF7A  }
0x26: {  	[smem:$0x3F9F] =	sst s1;
	(tag) =	ssettag s2;
	_ =	strace s9  }
0x27: {  	s1 =	sld [smem:$0x3FAF]  }
0x28: {  	s2 =	sld [smem:$0x3FB0]  }
0x29: {  	s4 =	sld [smem:$0x3FB2]  }
0x2a: {  	p0 =	seq.s32 s5, $0x0;
	s5 =	sld [smem:$0x3FB3]  }
0x2b: {  	s6 =	sld [smem:$0x3FB4]  }
0x2c: {  	s7 =	sld [smem:$0x3FB5]  }
0x2d: {  	s3 =	simm.s32 $0x108;
	s8 =	sld [smem:$0x3FB6]  }
0x2e: {  	s3 =	simm.s32 @!p0 $0x1082;
	s9 =	sld [smem:$0x3FB7]  }
0x2f: {  	lr =	sadd.s32 s0, s3;
	s0 =	sld [smem:$0x3FAE]  }
0x30: {  	s3 =	sld [smem:$0x3FB1]  }
0x31: {  	[smem:$0x3FBA] =	sst s10  }
0x32: {  	s10 =	sld [smem:$0x3FB8];
	_ =	sdelay $0x3  }
0x33: {  	p0 =	seq.s32 s10, $0x1;
	s10 =	sld [smem:$0x3FBA];
	_ =	sdelay $0x3  }
0x34: {  	[smem:$0x3FBA] =	sst s10  }
0x35: {  	s10 =	sld [smem:$0x3FB9];
	_ =	sdelay $0x3  }
0x36: {  	p1 =	seq.s32 s10, $0x1;
	s10 =	sld [smem:$0x3FBA];
	_ =	sdelay $0x3  }
0x37: {  	[smem:$0x3FBA] =	sst s10  }
0x38: {  	s10 =	sld [smem:$0x3FBB]  }
0x39: {  	_ = 	snop;
	(pc) =	sbr.ind lr, $3  }
0x3a: {  	_ = 	snop  }
0x3b: {  	_ = 	snop  }
0x3c: {  	p2 =	seq.s32 s10, $0x1;
	s10 =	sld [smem:$0x3FBA]  }
0x3d: {  	_ =	shalt  }
0x3e: {  	_ =	shalt  }
0x3f: {  	_ =	shalt  }
0x40: {  	_ =	shalt  }
0x41: {  	_ =	shalt  }
0x42: {  	_ =	shalt  }
0x43: {  	_ =	shalt  }
0x44: {  	_ =	shalt  }
0x45: {  	_ =	shalt  }
0x46: {  	_ =	shalt  }
0x47: {  	_ =	shalt  }
0x48: {  	_ =	shalt  }
0x49: {  	_ =	shalt  }
0x4a: {  	_ =	shalt  }
0x4b: {  	_ =	shalt  }
0x4c: {  	_ =	shalt  }
0x4d: {  	_ =	shalt  }
0x4e: {  	_ =	shalt  }
0x4f: {  	_ =	shalt  }
0x50: {  	_ =	shalt  }
0x51: {  	_ =	shalt  }
0x52: {  	_ =	shalt  }
0x53: {  	_ =	shalt  }
0x54: {  	_ =	shalt  }
0x55: {  	_ =	shalt  }
0x56: {  	_ =	shalt  }
0x57: {  	_ =	shalt  }
0x58: {  	_ =	shalt  }
0x59: {  	_ =	shalt  }
0x5a: {  	_ =	shalt  }
0x5b: {  	_ =	shalt  }
0x5c: {  	_ =	shalt  }
0x5d: {  	_ =	shalt  }
0x5e: {  	_ =	shalt  }
0x5f: {  	_ =	shalt  }
0x60: {  	_ =	shalt  }
0x61: {  	_ =	shalt  }
0x62: {  	_ =	shalt  }
0x63: {  	_ =	shalt  }
0x64: {  	_ =	shalt  }
0x65: {  	_ =	shalt  }
0x66: {  	_ =	shalt  }
0x67: {  	_ =	shalt  }
0x68: {  	_ =	shalt  }
0x69: {  	_ =	shalt  }
0x6a: {  	_ =	shalt  }
0x6b: {  	_ =	shalt  }
0x6c: {  	_ =	shalt  }
0x6d: {  	_ =	shalt  }
0x6e: {  	_ =	shalt  }
0x6f: {  	_ =	shalt  }
0x70: {  	_ =	shalt  }
0x71: {  	_ =	shalt  }
0x72: {  	_ =	shalt  }
0x73: {  	_ =	shalt  }
0x74: {  	_ =	shalt  }
0x75: {  	_ =	shalt  }
0x76: {  	_ =	shalt  }
0x77: {  	_ =	shalt  }
0x78: {  	_ =	shalt  }
0x79: {  	_ =	shalt  }
0x7a: {  	_ =	shalt  }
0x7b: {  	_ =	shalt  }
0x7c: {  	_ =	shalt  }
0x7d: {  	_ =	shalt  }
0x7e: {  	_ =	shalt  }
0x7f: {  	_ =	shalt  }
0x80: {  	_ =	shalt  }
0x81: {  	_ =	shalt  }
0x82: {  	_ =	shalt  }
0x83: {  	_ =	shalt  }
0x84: {  	_ =	shalt  }
0x85: {  	_ =	shalt  }
0x86: {  	_ =	shalt  }
0x87: {  	_ =	shalt  }
.Lfunc_end0:
.L_simem_size_0:
called_computation_lowered:
.L_overlay_start_0:
0x88: {  	s0 =	sld [smem:$0x3FD9]  }
0x89: {  	s1 =	sld [smem:$0x3FFE];
	_ =	sdelay $0x3  }
0x8a: {  	s0 =	sadd.s32 s1, s0  }
0x8b: {  	[smem:$0x3FC6] =	sst s0  }
0x8c: {  	_ = 	snop  }
0x8d: {  	s0 =	sld [smem:$0x3FC9]  }
0x8e: {  	s17 =	sld [smem:$0x3FC8]  }
0x8f: {  	s2 =	sld [smem:$0x3FD0];
	(tm) =	ssettm $0x1  }
0x90: {  	s3 =	sld [smem:$0x3FFB];
	_ =	sdelay $0x3  }
0x91: {  	_ =	strace s3  }
0x92: {  	s3 =	sld [smem:$0x3FFC];
	_ =	sdelay $0x3  }
0x93: {  	_ =	strace s3  }
0x94: {  	s3 =	sld [smem:$0x3FFD];
	_ =	sdelay $0x3  }
0x95: {  	_ =	strace s3  }
0x96: {  	_ =	strace $0x8FFFFFFF  }
0x97: {  	s18 =	sld [smem:$0x3FDB];
	_ =	sdelay $0x1  }
0x98: {  	s4 =	simm.s32 $_scs_section_size  }
0x99: {  	s5 =	simm.s32 $_size__tile_overlayer_lowered;
	s6 =	simm.s32 $_tile_overlayer_lowered  }
0x9a: {  	s21 =	simm.s32 $0x1BFF;
	s20 =	sshll.u32 s6, $0x1;
	s3 =	sadd.s32 s4, s18  }
0x9b: {  	s7 =	simm.s32 $0x0;
	s19 =	sshll.u32 s5, $0x1;
	s5 =	sadd.s32 s20, s3  }
0x9c: {  	[timem:s7], [sflag:s21] =	dma.local [hbm:s5], s19  }
0x9d: {  	_ =	swait.ge [sflag:s21], s19  }
0x9e: {  	s4 =	ssub.s32 $0x0, s19;
	[sflag:s21] =	ssyncset.done $0x0  }
0x9f: {  	[sflag:s21] =	ssyncadd.s32 s4;
	_ =	sdelay $0x1  }
0xa0: {  	s22 =	simm.s32 $0x1B8B  }
0xa1: {  	_ =	swait.ge [sflag:s22], $0x1  }
0xa2: {  	[sflag:s22] =	ssyncset.done $0x0  }
0xa3: {  	s23 =	simm.s32 $0x1B8E;
	[sflag:s22] =	ssyncadd.s32 $0xFFFFFFFF  }
0xa4: {  	s24 =	simm.s32 $execute0_lowered;
	[smem:$0x3FD2] =	sst s23  }
0xa5: {  	s4 =	sshll.u32 s24, $0x1;
	_ =	strace $0x80000046;
	[dreg:$0x1] =	wrdreg $0xFFFFFFFF  }
0xa6: {  	s25 =	simm.s32 $_size_execute0_lowered;
	s3 =	sadd.s32 s3, s4;
	[dreg:$0x0] =	wrdreg $0x0  }
0xa7: {  	s4 =	sshll.u32 s25, $0x1;
	[dreg:$0x2] =	wrdreg s3  }
0xa8: {  	[dreg:$0x3] =	wrdreg s4  }
0xa9: {  	[dreg:$0x4] =	wrdreg $0xC0  }
0xaa: {  	_ =	task [dreg:s7], $0x5FFFF  }
0xab: {  	[dreg:$0x1] =	wrdreg $0xFFFFFFFF  }
0xac: {  	[dreg:$0x0] =	wrdreg $0x60  }
0xad: {  	[dreg:$0x2] =	wrdreg s0  }
0xae: {  	[dreg:$0x3] =	wrdreg s17  }
0xaf: {  	[dreg:$0x4] =	wrdreg s2  }
0xb0: {  	[dreg:$0x5] =	wrdreg $0x9  }
0xb1: {  	_ =	task.clear_ibuf [dreg:s7], $0x6FFFF;
	_ =	strace $0x90000046  }
0xb2: {  	s26 =	simm.s32 $0x9;
	_ =	strace $0x80000048  }
0xb3: {  	_ =	swait.ge [sflag:s26], $0x1  }
0xb4: {  	[sflag:s26] =	ssyncadd.s32 $0xFFFFFFFF  }
0xb5: {  	_ =	strace $0x90000048  }
0xb6: {  	_ =	sfence  }
0xb7: {  	s28 =	sld [smem:$0x0];
	_ =	sdelay $0x1  }
0xb8: {  	s29 =	srdreg.scid  }
0xb9: {  	s30 =	sshll.u32 s29, $0xD;
	s31 =	sshrl.u32 s29, $0x2  }
0xba: {  	s1 =	sand.u32 $0x1, s29;
	s2 =	sand.u32 $0x4000, s30;
	s0 =	sadd.s32 s31, s28  }
0xbb: {  	s1 =	sor.u32 s2, s1;
	s0 =	sshll.u32 s0, $0x11  }
0xbc: {  	s0 =	sor.u32 s0, s1  }
0xbd: {  	s0 =	sadd.s32 $0x8F2B, s0  }
0xbe: {  	[sflag:s0] =	ssyncadd.remote.s32 $0x1  }
0xbf: {  	_ =	sfence.sel $0xFFFF  }
0xc0: {  	[dreg:$0x0] =	wrdreg $0xFFFFFFFF;
	(pc) =	sbr.abs _section_cstart, $3  }
0xc1: {  	[dreg:$0x1] =	wrdreg $0xFFFFFFFF  }
0xc2: {  	_ =	task.clear_ibuf [dreg:s7], $0x2FFFF;
	_ =	strace $0x9FFFFFFF  }
0xc3: {  	(tm) =	ssettm $0x7FFFFFFF  }
tec
execute0_lowered:
.L_overlay_start_1:
0x0: {  	(tag) =	ssettag $0x1  }
0x1: {  	s4 =	rddreg [dreg:$0x0]  }
0x2: {  	s3 =	rddreg [dreg:$0x1];
	s0 =	stileid.u32  }
0x3: {  	s2 =	rddreg [dreg:$0x2];
	p0 =	sgt.u32 s0, $0xB  }
0x4: {  	s1 =	rddreg [dreg:$0x3];
	s5 =	simm.s32 $0x0;
	p1 =	sne.s32 @p0 s0, $0xC  }
0x5: {  	[smem:$0x7FF] =	sst s5;
	p1 =	por p1, !p0  }
0x6: {  	s5 =	sadd.s32 $0x18, s4;
	_ =	strace $0x80000047;
	s6 =	simm.s32 @!p1 $0x0  }
0x7: {  	[tilespmem:s6], [sflag:$0x2] =	stream.linear.gather @!p1 [hbm4b:s5+s6], $0x8, $0x38;
	[tilespmem:$0x4080] =	vst v63  }
0x8: {  	s5 =	simm.s32 @!p1 $0x2  }
0x9: {  	_ =	swait.ge @!p1 [sflag:s5], $0x8  }
0xa: {  	[sflag:s5] =	ssyncset.done @!p1 $0x0  }
0xb: {  	[sflag:s5] =	ssyncadd.s32 @!p1 $0xFFFFFFF8  }
0xc: {  	v0 =	vld.msk @!p1 [tilespmem:$0x0], $0xff;
	_ =	sdelay $0x4  }
0xd: {  	v1 =	vshll.u32 @!p1 v0, $0x3  }
0xe: {  	v2 =	vlaneseq.u32 @!p1;
	v0 =	vand.u32 @!p1 $0x7, v0;
	v1 =	vand.u32 @!p1 $0xFFFFFFC0, v1  }
0xf: {  	v0 =	vor.u32 @!p1 v0, v1;
	v1 =	vand.u32 @!p1 $0x7, v2;
	v2 =	vshrl.u32 @!p1 v2, $0x3  }
0x10: {  	v0 =	vperm.xlane @!p1 v0, v1;
	v1 =	vmul.u32 @!p1 $0x8, v2;
	_ =	sdelay $0x1  }
0x11: {  	v0 =	vadd.s32 @!p1 v1, v0;
	_ =	sdelay $0x3  }
0x12: {  	vm0 =	vmmov @!p1 $0xffff;
	s7 =	simm.s32 @!p1 $0x80  }
0x13: {  	[tilespmem:s7], [sflag:$0x1] =	stream.indirect_vreg.gather @!p1 [hbm4b:s3+s6], $0x80, v0, vm0, $0xb8;
	[tilespmem:$0x4080] =	vst v63  }
0x14: {  	s8 =	sadd.s32 $0x100, s3;
	s9 =	simm.s32 @!p1 $0x880  }
0x15: {  	[tilespmem:s9], [sflag:$0x1] =	stream.indirect_vreg.gather @!p1 [hbm4b:s8+s6], $0x80, v0, vm0, $0xb8;
	[tilespmem:$0x4080] =	vst v63  }
0x16: {  	s10 =	simm.s32 @!p1 $0x1080;
	s9 =	sadd.s32 $0x200, s3  }
0x17: {  	[tilespmem:s10], [sflag:$0x1] =	stream.indirect_vreg.gather @!p1 [hbm4b:s9+s6], $0x80, v0, vm0, $0xb8;
	[tilespmem:$0x4080] =	vst v63  }
0x18: {  	s11 =	simm.s32 @!p1 $0x1880;
	s10 =	sadd.s32 $0x300, s3  }
0x19: {  	[tilespmem:s11], [sflag:$0x1] =	stream.indirect_vreg.gather @!p1 [hbm4b:s10+s6], $0x80, v0, vm0, $0xb8;
	[tilespmem:$0x4080] =	vst v63  }
0x1a: {  	s11 =	simm.s32 @!p1 $0x1  }
0x1b: {  	_ =	swait.ge @!p1 [sflag:s11], $0x2000  }
0x1c: {  	[sflag:s11] =	ssyncset.done @!p1 $0x0  }
0x1d: {  	s12 =	sadd.s32 $0x6000, s2;
	[sflag:s11] =	ssyncadd.s32 @!p1 $0xFFFFE000  }
0x1e: {  	[hbm4b:s12+s6] =	stream.linear.scatter @!p1 [tilespmem:s7], [sflag:$0x2], $0x2000, $0x38;
	[tilespmem:$0x4080] =	vst v63  }
0x1f: {  	_ =	swait.ge @!p1 [sflag:s5], $0x2000  }
0x20: {  	s6 =	sshll.u32 @!p0 s0, $0x1;
	[sflag:s5] =	ssyncset.done @!p1 $0x0  }
0x21: {  	s4 =	sadd.s32 @!p0 s4, s6;
	[sflag:s5] =	ssyncadd.s32 @!p1 $0xFFFFE000;
	s5 =	simm.s32 @!p0 $0x0  }
0x22: {  	[tilespmem:s5], [sflag:$0x2] =	stream.linear.gather @!p0 [hbm4b:s4+s5], $0x10, $0x38;
	[tilespmem:$0x4080] =	vst v63  }
0x23: {  	s4 =	simm.s32 @!p0 $0x2  }
0x24: {  	_ =	swait.ge @!p0 [sflag:s4], $0x10  }
0x25: {  	[sflag:s4] =	ssyncset.done @!p0 $0x0  }
0x26: {  	[sflag:s4] =	ssyncadd.s32 @!p0 $0xFFFFFFF0  }
0x27: {  	v0 =	vld @!p0 [tilespmem:$0x0];
	_ =	sdelay $0x4  }
0x28: {  	v1 =	vshll.u32 @!p0 v0, $0x3  }
0x29: {  	v2 =	vlaneseq.u32 @!p0;
	v0 =	vand.u32 @!p0 $0x7, v0;
	v1 =	vand.u32 @!p0 $0xFFFFFFC0, v1  }
0x2a: {  	v3 =	vshrl.u32 @!p0 v2, $0x3;
	v0 =	vor.u32 @!p0 v0, v1;
	v1 =	vand.u32 @!p0 $0x7, v2  }
0x2b: {  	v3 =	vmul.u32 @!p0 $0x8, v3;
	v1 =	vperm.xlane @!p0 v0, v1;
	_ =	sdelay $0x1  }
0x2c: {  	v1 =	vadd.s32 @!p0 v3, v1;
	_ =	sdelay $0x3  }
0x2d: {  	vm0 =	vmmov @!p0 $0xffff;
	s6 =	simm.s32 @!p0 $0x80  }
0x2e: {  	v2 =	vor.u32 @!p0 $0x8, v2;
	[tilespmem:s6], [sflag:$0x1] =	stream.indirect_vreg.gather @!p0 [hbm4b:s3+s5], $0x80, v1, vm0, $0xb8;
	[tilespmem:$0x4080] =	vst v63  }
0x2f: {  	s7 =	simm.s32 @!p0 $0x880;
	v0 =	vperm.xlane @!p0 v0, v2  }
0x30: {  	[tilespmem:s7], [sflag:$0x1] =	stream.indirect_vreg.gather @!p0 [hbm4b:s8+s5], $0x80, v1, vm0, $0xb8;
	[tilespmem:$0x4080] =	vst v63  }
0x31: {  	v0 =	vadd.s32 @!p0 v3, v0;
	s7 =	simm.s32 @!p0 $0x1080  }
0x32: {  	[tilespmem:s7], [sflag:$0x1] =	stream.indirect_vreg.gather @!p0 [hbm4b:s9+s5], $0x80, v1, vm0, $0xb8;
	[tilespmem:$0x4080] =	vst v63  }
0x33: {  	s7 =	simm.s32 @!p0 $0x1880  }
0x34: {  	[tilespmem:s7], [sflag:$0x1] =	stream.indirect_vreg.gather @!p0 [hbm4b:s10+s5], $0x80, v1, vm0, $0xb8;
	[tilespmem:$0x4080] =	vst v63  }
0x35: {  	s7 =	simm.s32 @!p0 $0x2080  }
0x36: {  	[tilespmem:s7], [sflag:$0x1] =	stream.indirect_vreg.gather @!p0 [hbm4b:s3+s5], $0x80, v0, vm0, $0xb8;
	[tilespmem:$0x4080] =	vst v63  }
0x37: {  	s3 =	simm.s32 @!p0 $0x2880  }
0x38: {  	[tilespmem:s3], [sflag:$0x1] =	stream.indirect_vreg.gather @!p0 [hbm4b:s8+s5], $0x80, v0, vm0, $0xb8;
	[tilespmem:$0x4080] =	vst v63  }
0x39: {  	s3 =	simm.s32 @!p0 $0x3080  }
0x3a: {  	[tilespmem:s3], [sflag:$0x1] =	stream.indirect_vreg.gather @!p0 [hbm4b:s9+s5], $0x80, v0, vm0, $0xb8;
	[tilespmem:$0x4080] =	vst v63  }
0x3b: {  	s3 =	simm.s32 @!p0 $0x3880  }
0x3c: {  	[tilespmem:s3], [sflag:$0x1] =	stream.indirect_vreg.gather @!p0 [hbm4b:s10+s5], $0x80, v0, vm0, $0xb8;
	[tilespmem:$0x4080] =	vst v63  }
0x3d: {  	s3 =	simm.s32 @!p0 $0x1  }
0x3e: {  	_ =	swait.ge @!p0 [sflag:s3], $0x4000  }
0x3f: {  	s7 =	sshll.u32 @!p0 s0, $0xB;
	[sflag:s3] =	ssyncset.done @!p0 $0x0  }
0x40: {  	s2 =	sadd.s32 @!p0 s2, s7;
	[sflag:s3] =	ssyncadd.s32 @!p0 $0xFFFFC000  }
0x41: {  	[hbm4b:s2+s5] =	stream.linear.scatter @!p0 [tilespmem:s6], [sflag:$0x2], $0x4000, $0x38;
	[tilespmem:$0x4080] =	vst v63  }
0x42: {  	_ =	swait.ge @!p0 [sflag:s4], $0x4000  }
0x43: {  	[sflag:s4] =	ssyncset.done @!p0 $0x0  }
0x44: {  	[sflag:s4] =	ssyncadd.s32 @!p0 $0xFFFFC000  }
0x45: {  	_ =	sfence.sel $0x180000  }
0x46: {  	[bflag:$0x0] =	sbarrier.arrive $0xFFFF  }
0x47: {  	p0 =	sne.s32 s0, $0x0;
	_ =	strace $0x90000047  }
0x48: {  	s0 =	sadd.s32 @!p0 $0x100000, s1;
	[bflag:$0x2] =	sbarrier.arrive $0xFFFF  }
0x49: {  	[sflag:s0] =	ssyncadd.tile.s32 @!p0 $0x1;
	_ =	shalt  }
.Lfunc_end2:
_tile_overlayer_lowered:
.L_overlay_start_2:
0x4a: {  	(tag) =	ssettag $0x2  }
0x4b: {  	s0 =	rddreg [dreg:$0x0];
	s2 =	stileid.u32  }
0x4c: {  	s1 =	rddreg [dreg:$0x1];
	p0 =	sne.s32 s2, $0x0  }
0x4d: {  	s3 =	rddreg [dreg:$0x2];
	[bflag:$0x3] =	sbarrier.arrive $0xFFFF;
	s2 =	simm.s32 @!p0 $0x1C02  }
0x4e: {  	[timem:s3], [sflag:s2] =	dma.local @!p0 [hbm:s0], s1  }
0x4f: {  	s0 =	simm.s32 @!p0 $0x2  }
0x50: {  	_ =	swait.ge @!p0 [sflag:s0], s1  }
0x51: {  	s1 =	ssub.s32 @!p0 $0x0, s1;
	[sflag:s0] =	ssyncset.done @!p0 $0x0  }
0x52: {  	[sflag:s0] =	ssyncadd.s32 @!p0 s1  }
0x53: {  	[bflag:$0x3] =	sbarrier.arrive $0xFFFF  }
0x54: {  	_ =	shalt  }

</sc_bundles>
